<compile_context>
chip_gen: v7x
topology: tpu7x:2x2x1
jax: 0.10.2.dev20260603
libtpu: 0.0.44.dev20260713+nightly
codegen_flags: <defaults>
</compile_context>

<pallas_src>
import functools

import jax
import jax.numpy as jnp
from jax import lax
from jax.experimental import pallas as pl
from jax.experimental.pallas import tpu as pltpu
from jax.experimental.pallas import tpu_sc as plsc

_NUM_EMB = 1024
_DIM = 64
_ROWS = 16384
_BETA = 0.25
_BLK = 4096
_HALF = 8192


def _argmin_body(xt_ref, emb_ref, idx_ref, sum_ref, acc_ref):
    i = pl.program_id(0)
    emb = emb_ref[...]
    en = jnp.sum(emb * emb, axis=0)
    msum = jnp.float32(0.0)
    nb = _BLK // 1024
    for b in range(nb):
        xb = xt_ref[b].T
        sim = jnp.dot(xb, emb, preferred_element_type=jnp.float32)
        rn = jnp.sum(xb * xb, axis=1, keepdims=True)
        d = rn + en[None, :] - 2.0 * sim
        m = jnp.min(d, axis=1, keepdims=True)
        ii = lax.broadcasted_iota(jnp.int32, d.shape, 1).astype(jnp.float32)
        idx_f = jnp.min(jnp.where(d == m, ii, jnp.float32(2048.0)), axis=1)
        idx_ref[pl.ds(b * 8, 8), :] = idx_f.astype(jnp.int32).reshape(8, 128)
        msum = msum + jnp.sum(m)

    @pl.when(i == 0)
    def _():
        acc_ref[0] = 0.0

    acc_ref[0] += msum

    @pl.when(i == pl.num_programs(0) - 1)
    def _():
        sum_ref[...] = jnp.full((1, 1), acc_ref[0], jnp.float32)


def _argmin_q_body(x_ref, emb_ref, idx_ref, sum_ref, q_ref, acc_ref):
    i = pl.program_id(0)
    x = x_ref[...]
    emb = emb_ref[...]
    sim = jnp.dot(x, emb, preferred_element_type=jnp.float32)
    rn = jnp.sum(x * x, axis=1, keepdims=True)
    en = jnp.sum(emb * emb, axis=0)
    d = rn + en[None, :] - 2.0 * sim
    m = jnp.min(d, axis=1, keepdims=True)
    ii = lax.broadcasted_iota(jnp.int32, d.shape, 1).astype(jnp.float32)
    idx_f = jnp.min(jnp.where(d == m, ii, jnp.float32(2048.0)), axis=1)
    idx_ref[...] = idx_f.astype(jnp.int32).reshape(idx_ref.shape)
    onehot = jnp.where(ii == idx_f[:, None], jnp.float32(1.0), jnp.float32(0.0))
    q_ref[...] = lax.dot_general(
        onehot, emb, (((1,), (1,)), ((), ())),
        preferred_element_type=jnp.float32,
    )

    @pl.when(i == 0)
    def _():
        acc_ref[0] = 0.0

    acc_ref[0] += jnp.sum(m)

    @pl.when(i == pl.num_programs(0) - 1)
    def _():
        sum_ref[...] = jnp.full((1, 1), acc_ref[0], jnp.float32)


def _make_argmin_q_call(rows, row_off):
    off_blk = row_off // _BLK
    return pl.pallas_call(
        _argmin_q_body,
        grid=(rows // _BLK,),
        in_specs=[
            pl.BlockSpec((_BLK, _DIM), lambda i: (i + off_blk, 0)),
            pl.BlockSpec((_DIM, _NUM_EMB), lambda i: (0, 0)),
        ],
        out_specs=[
            pl.BlockSpec((_BLK // 128, 128), lambda i: (i, 0)),
            pl.BlockSpec((1, 1), lambda i: (0, 0)),
            pl.BlockSpec((_BLK, _DIM), lambda i: (i, 0)),
        ],
        out_shape=[
            jax.ShapeDtypeStruct((rows // 128, 128), jnp.int32),
            jax.ShapeDtypeStruct((1, 1), jnp.float32),
            jax.ShapeDtypeStruct((rows, _DIM), jnp.float32),
        ],
        scratch_shapes=[pltpu.SMEM((1,), jnp.float32)],
        compiler_params=pltpu.CompilerParams(
            dimension_semantics=("arbitrary",),
        ),
    )


def _make_argmin_call(rows, row_off):
    off_blk = row_off // _BLK
    return pl.pallas_call(
        _argmin_body,
        grid=(rows // _BLK,),
        in_specs=[
            pl.BlockSpec(
                (_BLK // 1024, _DIM, 1024), lambda i: (i + off_blk, 0, 0)
            ),
            pl.BlockSpec((_DIM, _NUM_EMB), lambda i: (0, 0)),
        ],
        out_specs=[
            pl.BlockSpec((_BLK // 128, 128), lambda i: (i, 0)),
            pl.BlockSpec((1, 1), lambda i: (0, 0)),
        ],
        out_shape=[
            jax.ShapeDtypeStruct((rows // 128, 128), jnp.int32),
            jax.ShapeDtypeStruct((1, 1), jnp.float32),
        ],
        scratch_shapes=[pltpu.SMEM((1,), jnp.float32)],
        compiler_params=pltpu.CompilerParams(
            dimension_semantics=("arbitrary",),
        ),
    )


_NC = 2
_NS = 16
_NW = _NC * _NS
_CH = 128


@functools.cache
def _sc_gather_fn(rows):
    bpw = rows // _NW
    mesh = plsc.VectorSubcoreMesh(
        core_axis_name="c", subcore_axis_name="s",
        num_cores=_NC, num_subcores=_NS,
    )

    @functools.partial(
        pl.kernel,
        out_type=jax.ShapeDtypeStruct((rows, 128), jnp.float32),
        mesh=mesh,
        scratch_types=[
            pltpu.VMEM((bpw,), jnp.int32),
            pltpu.VMEM((bpw, _DIM), jnp.float32),
            pltpu.SemaphoreType.DMA,
        ],
        compiler_params=pltpu.CompilerParams(use_tc_tiling_on_sc=False),
    )
    def _sc_gather(table_hbm, idx_hbm, out_hbm, idx_v, rows_v, sem):
        wid = lax.axis_index("s") * _NC + lax.axis_index("c")
        base = wid * bpw
        pltpu.sync_copy(idx_hbm.at[pl.ds(base, bpw)], idx_v)
        copies = [
            pltpu.async_copy(
                table_hbm.at[idx_v.at[pl.ds(k * _CH, _CH)]],
                rows_v.at[pl.ds(k * _CH, _CH)],
                sem,
            )
            for k in range(bpw // _CH)
        ]
        for c in copies:
            c.wait()
        pltpu.sync_copy(
            rows_v, out_hbm.at[pl.ds(base, bpw), pl.ds(0, _DIM)]
        )

    return _sc_gather


def kernel(x, embeddings):
    table = embeddings.T
    xt = x.transpose(0, 2, 1)
    idx, s1 = _make_argmin_call(_ROWS, 0)(xt, embeddings)
    q = _sc_gather_fn(_ROWS)(table, idx.reshape(_ROWS))
    c = s1[0, 0] / jnp.float32(_ROWS * _DIM)
    loss = _BETA * c + c
    return q[:, :_DIM].reshape(x.shape), loss

# --- scband reference (transcript-rebuilt; emitter-appended) ---
"""Pipeline reference for scband-vector-quantizer-472446402881 (READ-ONLY COPY).

The authoritative reference and input builder live on the scoring server;
editing this copy changes nothing except your own understanding.
"""

import jax, jax.numpy as jnp
import numpy as np

NUM_EMBEDDINGS = 1024
EMBEDDING_DIM = 64
BETA = 0.25


def setup_inputs(seed: int = 0) -> dict:
    key = jax.random.key(seed)
    kx, ke = jax.random.split(key)
    x = jax.random.normal(kx, (16, 1024, 64), dtype=jnp.float32)
    # tf.random_uniform_initializer default: uniform(-0.05, 0.05)
    embeddings = jax.random.uniform(ke, (EMBEDDING_DIM, NUM_EMBEDDINGS), minval=-0.05, maxval=0.05, dtype=jnp.float32)
    return {"x": x, "embeddings": embeddings}


def get_codebook_indices(flattened, embeddings):
    similarity = flattened @ embeddings
    distances = (jnp.sum(flattened ** 2, axis=1, keepdims=True)
                 + jnp.sum(embeddings ** 2, axis=0)
                 - 2.0 * similarity)
    return jnp.argmin(distances, axis=1)


def reference(x, embeddings):
    shape = x.shape
    flattened = x.reshape(-1, EMBEDDING_DIM)
    codebook_indices = get_codebook_indices(flattened, embeddings)
    encodings = jax.nn.one_hot(codebook_indices, NUM_EMBEDDINGS, dtype=jnp.float32)
    quantized = encodings @ embeddings.T
    quantized = quantized.reshape(shape)
    commitment_loss = jnp.mean((jax.lax.stop_gradient(quantized) - x) ** 2)
    codebook_loss = jnp.mean((quantized - jax.lax.stop_gradient(x)) ** 2)
    loss = BETA * commitment_loss + codebook_loss
    quantized_st = x + jax.lax.stop_gradient(quantized - x)
    return quantized_st, loss

if __name__ == "__main__":
    import jax
    _d = setup_inputs()
    print(jax.jit(kernel)(*tuple(_d.values())))

</pallas_src>

<mosaic_0001>
#map = affine_map<(d0, d1) -> (0, 0)>
#map1 = affine_map<(d0, d1) -> (0)>
module attributes {stable_mosaic.version = 14 : i64} {
  func.func @_sc_gather(%arg0: i32, %arg1: i32, %arg2: memref<1024x64xf32, #tpu.memory_space<hbm>>, %arg3: memref<16384xi32, #tpu.memory_space<hbm>>, %arg4: memref<16384x128xf32, #tpu.memory_space<hbm>>, %arg5: memref<512xi32, #tpu.memory_space<vmem>>, %arg6: memref<512x64xf32, #tpu.memory_space<vmem>>, %arg7: memref<!tpu.dma_semaphore, #tpu.memory_space<semaphore_mem>>) attributes {dimension_semantics = [#tpu.dimension_semantics<core_parallel>, #tpu.dimension_semantics<subcore_parallel>], iteration_bounds = array<i64: 2, 16>, scalar_prefetch = 0 : i64, scratch_operands = 3 : i64, tpu.core_type = #tpu.core_type<sc_vector_subcore>, window_params = [{transform_indices = #map}, {transform_indices = #map1}, {transform_indices = #map}]} {
    %mul3A = arith.constant 2 : i32
    %mul3A_0 = arith.muli %arg1, %mul3A : i32
    %add3A = arith.addi %mul3A_0, %arg0 : i32
    %mul3A_1 = arith.constant 512 : i32
    %mul3A_2 = arith.muli %add3A, %mul3A_1 : i32
    "tpu.region"() ({
      %run_scoped3A = tpu.sem_alloc : memref<!tpu.dma_semaphore, #tpu.memory_space<semaphore_mem>>
      %dma_start3A_65 = tpu.memref_slice %arg3[%mul3A_2] : memref<16384xi32, #tpu.memory_space<hbm>> -> memref<512xi32, #tpu.memory_space<hbm>>
      %dma_start3A_66 = tpu.memref_slice %arg3[%mul3A_2] : memref<16384xi32, #tpu.memory_space<hbm>> -> memref<512xi32, #tpu.memory_space<hbm>>
      tpu.enqueue_dma source(%dma_start3A_66 : memref<512xi32, #tpu.memory_space<hbm>>) target(%arg5 : memref<512xi32, #tpu.memory_space<vmem>>) target_semaphore(%run_scoped3A : memref<!tpu.dma_semaphore, #tpu.memory_space<semaphore_mem>>)
      %dma_wait3A_67 = tpu.memref_slice %arg3[%mul3A_2] : memref<16384xi32, #tpu.memory_space<hbm>> -> memref<512xi32, #tpu.memory_space<hbm>>
      %dma_wait3A_68 = tpu.memref_slice %arg3[%mul3A_2] : memref<16384xi32, #tpu.memory_space<hbm>> -> memref<512xi32, #tpu.memory_space<hbm>>
      tpu.wait_dma2 semaphore(%run_scoped3A : memref<!tpu.dma_semaphore, #tpu.memory_space<semaphore_mem>>) src(%dma_wait3A_68 : memref<512xi32, #tpu.memory_space<hbm>>) dst(%arg5 : memref<512xi32, #tpu.memory_space<vmem>>)
      tpu.yield
    }) : () -> ()
    %dma_start3A = arith.constant 0 : i32
    %dma_start3A_3 = arith.constant 0 : i32
    %dma_start3A_4 = tpu.memref_slice %arg6[%dma_start3A, %dma_start3A_3] : memref<512x64xf32, #tpu.memory_space<vmem>> -> memref<128x64xf32, #tpu.memory_space<vmem>>
    %dma_start3A_5 = arith.constant 0 : i32
    %dma_start3A_6 = tpu.memref_slice %arg5[%dma_start3A_5] : memref<512xi32, #tpu.memory_space<vmem>> -> memref<128xi32, #tpu.memory_space<vmem>>
    %dma_start3A_7 = arith.constant 0 : i32
    %dma_start3A_8 = arith.constant 0 : i32
    %dma_start3A_9 = tpu.memref_slice %arg2[%dma_start3A_7, %dma_start3A_8] : memref<1024x64xf32, #tpu.memory_space<hbm>> -> memref<1024x64xf32, #tpu.memory_space<hbm>>
    tpu.enqueue_indirect_dma source(%dma_start3A_9 : memref<1024x64xf32, #tpu.memory_space<hbm>>) target(%dma_start3A_4 : memref<128x64xf32, #tpu.memory_space<vmem>>) offsets(%dma_start3A_6 : memref<128xi32, #tpu.memory_space<vmem>>) semaphore(%arg7 : memref<!tpu.dma_semaphore, #tpu.memory_space<semaphore_mem>>)
    %dma_start3A_10 = arith.constant 128 : i32
    %dma_start3A_11 = arith.constant 0 : i32
    %dma_start3A_12 = tpu.memref_slice %arg6[%dma_start3A_10, %dma_start3A_11] : memref<512x64xf32, #tpu.memory_space<vmem>> -> memref<128x64xf32, #tpu.memory_space<vmem>>
    %dma_start3A_13 = arith.constant 128 : i32
    %dma_start3A_14 = tpu.memref_slice %arg5[%dma_start3A_13] : memref<512xi32, #tpu.memory_space<vmem>> -> memref<128xi32, #tpu.memory_space<vmem>>
    %dma_start3A_15 = arith.constant 0 : i32
    %dma_start3A_16 = arith.constant 0 : i32
    %dma_start3A_17 = tpu.memref_slice %arg2[%dma_start3A_15, %dma_start3A_16] : memref<1024x64xf32, #tpu.memory_space<hbm>> -> memref<1024x64xf32, #tpu.memory_space<hbm>>
    tpu.enqueue_indirect_dma source(%dma_start3A_17 : memref<1024x64xf32, #tpu.memory_space<hbm>>) target(%dma_start3A_12 : memref<128x64xf32, #tpu.memory_space<vmem>>) offsets(%dma_start3A_14 : memref<128xi32, #tpu.memory_space<vmem>>) semaphore(%arg7 : memref<!tpu.dma_semaphore, #tpu.memory_space<semaphore_mem>>)
    %dma_start3A_18 = arith.constant 256 : i32
    %dma_start3A_19 = arith.constant 0 : i32
    %dma_start3A_20 = tpu.memref_slice %arg6[%dma_start3A_18, %dma_start3A_19] : memref<512x64xf32, #tpu.memory_space<vmem>> -> memref<128x64xf32, #tpu.memory_space<vmem>>
    %dma_start3A_21 = arith.constant 256 : i32
    %dma_start3A_22 = tpu.memref_slice %arg5[%dma_start3A_21] : memref<512xi32, #tpu.memory_space<vmem>> -> memref<128xi32, #tpu.memory_space<vmem>>
    %dma_start3A_23 = arith.constant 0 : i32
    %dma_start3A_24 = arith.constant 0 : i32
    %dma_start3A_25 = tpu.memref_slice %arg2[%dma_start3A_23, %dma_start3A_24] : memref<1024x64xf32, #tpu.memory_space<hbm>> -> memref<1024x64xf32, #tpu.memory_space<hbm>>
    tpu.enqueue_indirect_dma source(%dma_start3A_25 : memref<1024x64xf32, #tpu.memory_space<hbm>>) target(%dma_start3A_20 : memref<128x64xf32, #tpu.memory_space<vmem>>) offsets(%dma_start3A_22 : memref<128xi32, #tpu.memory_space<vmem>>) semaphore(%arg7 : memref<!tpu.dma_semaphore, #tpu.memory_space<semaphore_mem>>)
    %dma_start3A_26 = arith.constant 384 : i32
    %dma_start3A_27 = arith.constant 0 : i32
    %dma_start3A_28 = tpu.memref_slice %arg6[%dma_start3A_26, %dma_start3A_27] : memref<512x64xf32, #tpu.memory_space<vmem>> -> memref<128x64xf32, #tpu.memory_space<vmem>>
    %dma_start3A_29 = arith.constant 384 : i32
    %dma_start3A_30 = tpu.memref_slice %arg5[%dma_start3A_29] : memref<512xi32, #tpu.memory_space<vmem>> -> memref<128xi32, #tpu.memory_space<vmem>>
    %dma_start3A_31 = arith.constant 0 : i32
    %dma_start3A_32 = arith.constant 0 : i32
    %dma_start3A_33 = tpu.memref_slice %arg2[%dma_start3A_31, %dma_start3A_32] : memref<1024x64xf32, #tpu.memory_space<hbm>> -> memref<1024x64xf32, #tpu.memory_space<hbm>>
    tpu.enqueue_indirect_dma source(%dma_start3A_33 : memref<1024x64xf32, #tpu.memory_space<hbm>>) target(%dma_start3A_28 : memref<128x64xf32, #tpu.memory_space<vmem>>) offsets(%dma_start3A_30 : memref<128xi32, #tpu.memory_space<vmem>>) semaphore(%arg7 : memref<!tpu.dma_semaphore, #tpu.memory_space<semaphore_mem>>)
    %dma_wait3A = arith.constant 0 : i32
    %dma_wait3A_34 = arith.constant 0 : i32
    %dma_wait3A_35 = tpu.memref_slice %arg6[%dma_wait3A, %dma_wait3A_34] : memref<512x64xf32, #tpu.memory_space<vmem>> -> memref<128x64xf32, #tpu.memory_space<vmem>>
    %dma_wait3A_36 = arith.constant 0 : i32
    %dma_wait3A_37 = tpu.memref_slice %arg5[%dma_wait3A_36] : memref<512xi32, #tpu.memory_space<vmem>> -> memref<128xi32, #tpu.memory_space<vmem>>
    %dma_wait3A_38 = arith.constant 0 : i32
    %dma_wait3A_39 = arith.constant 0 : i32
    %dma_wait3A_40 = tpu.memref_slice %arg2[%dma_wait3A_38, %dma_wait3A_39] : memref<1024x64xf32, #tpu.memory_space<hbm>> -> memref<1024x64xf32, #tpu.memory_space<hbm>>
    tpu.wait_indirect_dma semaphore(%arg7 : memref<!tpu.dma_semaphore, #tpu.memory_space<semaphore_mem>>) src(%dma_wait3A_40 : memref<1024x64xf32, #tpu.memory_space<hbm>>) dst(%dma_wait3A_35 : memref<128x64xf32, #tpu.memory_space<vmem>>)
    %dma_wait3A_41 = arith.constant 128 : i32
    %dma_wait3A_42 = arith.constant 0 : i32
    %dma_wait3A_43 = tpu.memref_slice %arg6[%dma_wait3A_41, %dma_wait3A_42] : memref<512x64xf32, #tpu.memory_space<vmem>> -> memref<128x64xf32, #tpu.memory_space<vmem>>
    %dma_wait3A_44 = arith.constant 128 : i32
    %dma_wait3A_45 = tpu.memref_slice %arg5[%dma_wait3A_44] : memref<512xi32, #tpu.memory_space<vmem>> -> memref<128xi32, #tpu.memory_space<vmem>>
    %dma_wait3A_46 = arith.constant 0 : i32
    %dma_wait3A_47 = arith.constant 0 : i32
    %dma_wait3A_48 = tpu.memref_slice %arg2[%dma_wait3A_46, %dma_wait3A_47] : memref<1024x64xf32, #tpu.memory_space<hbm>> -> memref<1024x64xf32, #tpu.memory_space<hbm>>
    tpu.wait_indirect_dma semaphore(%arg7 : memref<!tpu.dma_semaphore, #tpu.memory_space<semaphore_mem>>) src(%dma_wait3A_48 : memref<1024x64xf32, #tpu.memory_space<hbm>>) dst(%dma_wait3A_43 : memref<128x64xf32, #tpu.memory_space<vmem>>)
    %dma_wait3A_49 = arith.constant 256 : i32
    %dma_wait3A_50 = arith.constant 0 : i32
    %dma_wait3A_51 = tpu.memref_slice %arg6[%dma_wait3A_49, %dma_wait3A_50] : memref<512x64xf32, #tpu.memory_space<vmem>> -> memref<128x64xf32, #tpu.memory_space<vmem>>
    %dma_wait3A_52 = arith.constant 256 : i32
    %dma_wait3A_53 = tpu.memref_slice %arg5[%dma_wait3A_52] : memref<512xi32, #tpu.memory_space<vmem>> -> memref<128xi32, #tpu.memory_space<vmem>>
    %dma_wait3A_54 = arith.constant 0 : i32
    %dma_wait3A_55 = arith.constant 0 : i32
    %dma_wait3A_56 = tpu.memref_slice %arg2[%dma_wait3A_54, %dma_wait3A_55] : memref<1024x64xf32, #tpu.memory_space<hbm>> -> memref<1024x64xf32, #tpu.memory_space<hbm>>
    tpu.wait_indirect_dma semaphore(%arg7 : memref<!tpu.dma_semaphore, #tpu.memory_space<semaphore_mem>>) src(%dma_wait3A_56 : memref<1024x64xf32, #tpu.memory_space<hbm>>) dst(%dma_wait3A_51 : memref<128x64xf32, #tpu.memory_space<vmem>>)
    %dma_wait3A_57 = arith.constant 384 : i32
    %dma_wait3A_58 = arith.constant 0 : i32
    %dma_wait3A_59 = tpu.memref_slice %arg6[%dma_wait3A_57, %dma_wait3A_58] : memref<512x64xf32, #tpu.memory_space<vmem>> -> memref<128x64xf32, #tpu.memory_space<vmem>>
    %dma_wait3A_60 = arith.constant 384 : i32
    %dma_wait3A_61 = tpu.memref_slice %arg5[%dma_wait3A_60] : memref<512xi32, #tpu.memory_space<vmem>> -> memref<128xi32, #tpu.memory_space<vmem>>
    %dma_wait3A_62 = arith.constant 0 : i32
    %dma_wait3A_63 = arith.constant 0 : i32
    %dma_wait3A_64 = tpu.memref_slice %arg2[%dma_wait3A_62, %dma_wait3A_63] : memref<1024x64xf32, #tpu.memory_space<hbm>> -> memref<1024x64xf32, #tpu.memory_space<hbm>>
    tpu.wait_indirect_dma semaphore(%arg7 : memref<!tpu.dma_semaphore, #tpu.memory_space<semaphore_mem>>) src(%dma_wait3A_64 : memref<1024x64xf32, #tpu.memory_space<hbm>>) dst(%dma_wait3A_59 : memref<128x64xf32, #tpu.memory_space<vmem>>)
    "tpu.region"() ({
      %run_scoped3A = tpu.sem_alloc : memref<!tpu.dma_semaphore, #tpu.memory_space<semaphore_mem>>
      %dma_start3A_65 = arith.constant 0 : i32
      %dma_start3A_66 = tpu.memref_slice %arg4[%mul3A_2, %dma_start3A_65] : memref<16384x128xf32, #tpu.memory_space<hbm>> -> memref<512x64xf32, #tpu.memory_space<hbm>>
      %dma_start3A_67 = arith.constant 0 : i32
      %dma_start3A_68 = tpu.memref_slice %arg4[%mul3A_2, %dma_start3A_67] : memref<16384x128xf32, #tpu.memory_space<hbm>> -> memref<512x64xf32, #tpu.memory_space<hbm>>
      tpu.enqueue_dma source(%arg6 : memref<512x64xf32, #tpu.memory_space<vmem>>) target(%dma_start3A_68 : memref<512x64xf32, #tpu.memory_space<hbm>>) target_semaphore(%run_scoped3A : memref<!tpu.dma_semaphore, #tpu.memory_space<semaphore_mem>>)
      %dma_wait3A_69 = arith.constant 0 : i32
      %dma_wait3A_70 = tpu.memref_slice %arg4[%mul3A_2, %dma_wait3A_69] : memref<16384x128xf32, #tpu.memory_space<hbm>> -> memref<512x64xf32, #tpu.memory_space<hbm>>
      %dma_wait3A_71 = arith.constant 0 : i32
      %dma_wait3A_72 = tpu.memref_slice %arg4[%mul3A_2, %dma_wait3A_71] : memref<16384x128xf32, #tpu.memory_space<hbm>> -> memref<512x64xf32, #tpu.memory_space<hbm>>
      tpu.wait_dma2 semaphore(%run_scoped3A : memref<!tpu.dma_semaphore, #tpu.memory_space<semaphore_mem>>) src(%arg6 : memref<512x64xf32, #tpu.memory_space<vmem>>) dst(%dma_wait3A_72 : memref<512x64xf32, #tpu.memory_space<hbm>>)
      tpu.yield
    }) : () -> ()
    return
  }
}

module attributes {stable_mosaic.version = 14 : i64} {
  func.func @_argmin_body(%arg0: i32, %arg1: memref<4x64x1024xf32, #tpu.memory_space<vmem>>, %arg2: memref<64x1024xf32, #tpu.memory_space<vmem>>, %arg3: memref<32x128xi32, #tpu.memory_space<vmem>>, %arg4: memref<1x1xf32, #tpu.memory_space<vmem>>, %arg5: memref<1xf32, #tpu.memory_space<smem>>) attributes {dimension_semantics = [#tpu.dimension_semantics<arbitrary>], iteration_bounds = array<i64: 4>, scalar_prefetch = 0 : i64, scratch_operands = 1 : i64, tpu.core_type = #tpu.core_type<tc>, window_params = [{transform_indices = @transform_0, window_bounds = array<i64: 4, 64, 1024>}, {pipeline_mode = #tpu.pipeline_mode<synchronous>, transform_indices = @transform_1, window_bounds = array<i64: 64, 1024>}, {transform_indices = @transform_2, window_bounds = array<i64: 32, 128>}, {pipeline_mode = #tpu.pipeline_mode<synchronous>, transform_indices = @transform_3, window_bounds = array<i64: 1, 1>}]} {
    %get3A = arith.constant 0 : index
    %get3A_0 = arith.constant 0 : index
    %get3A_1 = vector.load %arg2[%get3A, %get3A_0] : memref<64x1024xf32, #tpu.memory_space<vmem>>, vector<64x1024xf32>
    %mul3A = arith.mulf %get3A_1, %get3A_1 : vector<64x1024xf32>
    %reduce_sum3A = arith.constant dense<0.000000e+00> : vector<1024xf32>
    %reduce_sum3A_2 = vector.multi_reduction <add>, %mul3A, %reduce_sum3A [0] : vector<64x1024xf32> to vector<1024xf32>
    %get3A_3 = arith.constant 0 : index
    %get3A_4 = arith.constant 0 : index
    %get3A_5 = arith.constant 0 : index
    %get3A_6 = vector.load %arg1[%get3A_3, %get3A_4, %get3A_5] : memref<4x64x1024xf32, #tpu.memory_space<vmem>>, vector<1x64x1024xf32>
    %get3A_7 = vector.shape_cast %get3A_6 : vector<1x64x1024xf32> to vector<64x1024xf32>
    %transpose3A = tpu.transpose %get3A_7, [1, 0] : vector<64x1024xf32> -> vector<1024x64xf32>
    %dot_general3A = arith.constant dense<0.000000e+00> : vector<1024x1024xf32>
    %dot_general3A_8 = tpu.matmul %transpose3A, %get3A_1, %dot_general3A {dimension_numbers = #tpu.dot_dimension_numbers<[1], [0], [0], [1], [0, 0, 1, 1], [], []>, transpose_lhs_hint = false} : vector<1024x64xf32>, vector<64x1024xf32>, vector<1024x1024xf32> -> vector<1024x1024xf32>
    %mul3A_9 = arith.mulf %transpose3A, %transpose3A : vector<1024x64xf32>
    %reduce_sum3A_10 = arith.constant dense<0.000000e+00> : vector<1024xf32>
    %reduce_sum3A_11 = vector.multi_reduction <add>, %mul3A_9, %reduce_sum3A_10 [1] : vector<1024x64xf32> to vector<1024xf32>
    %broadcast_in_dim3A = vector.shape_cast %reduce_sum3A_11 : vector<1024xf32> to vector<1024x1xf32>
    %broadcast_in_dim3A_12 = vector.shape_cast %reduce_sum3A_2 : vector<1024xf32> to vector<1x1024xf32>
    %add3A = vector.broadcast %broadcast_in_dim3A : vector<1024x1xf32> to vector<1024x1024xf32>
    %add3A_13 = vector.broadcast %broadcast_in_dim3A_12 : vector<1x1024xf32> to vector<1024x1024xf32>
    %add3A_14 = arith.addf %add3A, %add3A_13 : vector<1024x1024xf32>
    %mul3A_15 = arith.constant 2.000000e+00 : f32
    %mul3A_16 = vector.broadcast %mul3A_15 : f32 to vector<1024x1024xf32>
    %mul3A_17 = arith.mulf %mul3A_16, %dot_general3A_8 : vector<1024x1024xf32>
    %sub3A = arith.subf %add3A_14, %mul3A_17 : vector<1024x1024xf32>
    %reduce_min3A = arith.constant dense<0x7F800000> : vector<1024xf32>
    %reduce_min3A_18 = vector.multi_reduction <minimumf>, %sub3A, %reduce_min3A [1] : vector<1024x1024xf32> to vector<1024xf32>
    %broadcast_in_dim3A_19 = vector.shape_cast %reduce_min3A_18 : vector<1024xf32> to vector<1024x1xf32>
    %iota3A = tpu.iota {dimensions = array<i32: 1>} : vector<1024x1024xi32>
    %convert_element_type3A = arith.sitofp %iota3A : vector<1024x1024xi32> to vector<1024x1024xf32>
    %eq3A = vector.broadcast %broadcast_in_dim3A_19 : vector<1024x1xf32> to vector<1024x1024xf32>
    %eq3A_20 = arith.cmpf oeq, %sub3A, %eq3A : vector<1024x1024xf32>
    %jit3A = arith.constant 2.048000e+03 : f32
    %broadcast_in_dim3A_21 = vector.broadcast %jit3A : f32 to vector<1024x1024xf32>
    %select_n3A = arith.select %eq3A_20, %convert_element_type3A, %broadcast_in_dim3A_21 : vector<1024x1024xi1>, vector<1024x1024xf32>
    %reduce_min3A_22 = arith.constant dense<0x7F800000> : vector<1024xf32>
    %reduce_min3A_23 = vector.multi_reduction <minimumf>, %select_n3A, %reduce_min3A_22 [1] : vector<1024x1024xf32> to vector<1024xf32>
    %convert_element_type3A_24 = arith.fptosi %reduce_min3A_23 : vector<1024xf32> to vector<1024xi32>
    %reshape3A = vector.shape_cast %convert_element_type3A_24 : vector<1024xi32> to vector<8x128xi32>
    %swap3A = arith.constant 0 : index
    %swap3A_25 = arith.constant 0 : index
    %swap3A_26 = vector.load %arg3[%swap3A, %swap3A_25] : memref<32x128xi32, #tpu.memory_space<vmem>>, vector<8x128xi32>
    tpu.vector_store %arg3[%swap3A, %swap3A_25], %reshape3A {strides = array<i32>} : memref<32x128xi32, #tpu.memory_space<vmem>>, vector<8x128xi32>,
    %reduce_sum3A_27 = vector.shape_cast %broadcast_in_dim3A_19 : vector<1024x1xf32> to vector<1x1024x1xf32>
    %reduce_sum3A_28 = arith.constant dense<0.000000e+00> : vector<1xf32>
    %reduce_sum3A_29 = vector.multi_reduction <add>, %reduce_sum3A_27, %reduce_sum3A_28 [1, 2] : vector<1x1024x1xf32> to vector<1xf32>
    %reduce_sum3A_30 = vector.shape_cast %reduce_sum3A_29 : vector<1xf32> to vector<1x1x1xf32>
    %reduce_sum3A_31 = vector.extract %reduce_sum3A_30[0, 0, 0] : f32 from vector<1x1x1xf32>
    %add3A_32 = arith.constant 0.000000e+00 : f32
    %add3A_33 = arith.addf %add3A_32, %reduce_sum3A_31 : f32
    %get3A_34 = arith.constant 1 : index
    %get3A_35 = arith.constant 0 : index
    %get3A_36 = arith.constant 0 : index
    %get3A_37 = vector.load %arg1[%get3A_34, %get3A_35, %get3A_36] : memref<4x64x1024xf32, #tpu.memory_space<vmem>>, vector<1x64x1024xf32>
    %get3A_38 = vector.shape_cast %get3A_37 : vector<1x64x1024xf32> to vector<64x1024xf32>
    %transpose3A_39 = tpu.transpose %get3A_38, [1, 0] : vector<64x1024xf32> -> vector<1024x64xf32>
    %dot_general3A_40 = arith.constant dense<0.000000e+00> : vector<1024x1024xf32>
    %dot_general3A_41 = tpu.matmul %transpose3A_39, %get3A_1, %dot_general3A_40 {dimension_numbers = #tpu.dot_dimension_numbers<[1], [0], [0], [1], [0, 0, 1, 1], [], []>, transpose_lhs_hint = false} : vector<1024x64xf32>, vector<64x1024xf32>, vector<1024x1024xf32> -> vector<1024x1024xf32>
    %mul3A_42 = arith.mulf %transpose3A_39, %transpose3A_39 : vector<1024x64xf32>
    %reduce_sum3A_43 = arith.constant dense<0.000000e+00> : vector<1024xf32>
    %reduce_sum3A_44 = vector.multi_reduction <add>, %mul3A_42, %reduce_sum3A_43 [1] : vector<1024x64xf32> to vector<1024xf32>
    %broadcast_in_dim3A_45 = vector.shape_cast %reduce_sum3A_44 : vector<1024xf32> to vector<1024x1xf32>
    %broadcast_in_dim3A_46 = vector.shape_cast %reduce_sum3A_2 : vector<1024xf32> to vector<1x1024xf32>
    %add3A_47 = vector.broadcast %broadcast_in_dim3A_45 : vector<1024x1xf32> to vector<1024x1024xf32>
    %add3A_48 = vector.broadcast %broadcast_in_dim3A_46 : vector<1x1024xf32> to vector<1024x1024xf32>
    %add3A_49 = arith.addf %add3A_47, %add3A_48 : vector<1024x1024xf32>
    %mul3A_50 = arith.constant 2.000000e+00 : f32
    %mul3A_51 = vector.broadcast %mul3A_50 : f32 to vector<1024x1024xf32>
    %mul3A_52 = arith.mulf %mul3A_51, %dot_general3A_41 : vector<1024x1024xf32>
    %sub3A_53 = arith.subf %add3A_49, %mul3A_52 : vector<1024x1024xf32>
    %reduce_min3A_54 = arith.constant dense<0x7F800000> : vector<1024xf32>
    %reduce_min3A_55 = vector.multi_reduction <minimumf>, %sub3A_53, %reduce_min3A_54 [1] : vector<1024x1024xf32> to vector<1024xf32>
    %broadcast_in_dim3A_56 = vector.shape_cast %reduce_min3A_55 : vector<1024xf32> to vector<1024x1xf32>
    %iota3A_57 = tpu.iota {dimensions = array<i32: 1>} : vector<1024x1024xi32>
    %convert_element_type3A_58 = arith.sitofp %iota3A_57 : vector<1024x1024xi32> to vector<1024x1024xf32>
    %eq3A_59 = vector.broadcast %broadcast_in_dim3A_56 : vector<1024x1xf32> to vector<1024x1024xf32>
    %eq3A_60 = arith.cmpf oeq, %sub3A_53, %eq3A_59 : vector<1024x1024xf32>
    %jit3A_61 = arith.constant 2.048000e+03 : f32
    %broadcast_in_dim3A_62 = vector.broadcast %jit3A_61 : f32 to vector<1024x1024xf32>
    %select_n3A_63 = arith.select %eq3A_60, %convert_element_type3A_58, %broadcast_in_dim3A_62 : vector<1024x1024xi1>, vector<1024x1024xf32>
    %reduce_min3A_64 = arith.constant dense<0x7F800000> : vector<1024xf32>
    %reduce_min3A_65 = vector.multi_reduction <minimumf>, %select_n3A_63, %reduce_min3A_64 [1] : vector<1024x1024xf32> to vector<1024xf32>
    %convert_element_type3A_66 = arith.fptosi %reduce_min3A_65 : vector<1024xf32> to vector<1024xi32>
    %reshape3A_67 = vector.shape_cast %convert_element_type3A_66 : vector<1024xi32> to vector<8x128xi32>
    %swap3A_68 = arith.constant 8 : index
    %swap3A_69 = arith.constant 0 : index
    %swap3A_70 = vector.load %arg3[%swap3A_68, %swap3A_69] : memref<32x128xi32, #tpu.memory_space<vmem>>, vector<8x128xi32>
    tpu.vector_store %arg3[%swap3A_68, %swap3A_69], %reshape3A_67 {strides = array<i32>} : memref<32x128xi32, #tpu.memory_space<vmem>>, vector<8x128xi32>,
    %reduce_sum3A_71 = vector.shape_cast %broadcast_in_dim3A_56 : vector<1024x1xf32> to vector<1x1024x1xf32>
    %reduce_sum3A_72 = arith.constant dense<0.000000e+00> : vector<1xf32>
    %reduce_sum3A_73 = vector.multi_reduction <add>, %reduce_sum3A_71, %reduce_sum3A_72 [1, 2] : vector<1x1024x1xf32> to vector<1xf32>
    %reduce_sum3A_74 = vector.shape_cast %reduce_sum3A_73 : vector<1xf32> to vector<1x1x1xf32>
    %reduce_sum3A_75 = vector.extract %reduce_sum3A_74[0, 0, 0] : f32 from vector<1x1x1xf32>
    %add3A_76 = arith.addf %add3A_33, %reduce_sum3A_75 : f32
    %get3A_77 = arith.constant 2 : index
    %get3A_78 = arith.constant 0 : index
    %get3A_79 = arith.constant 0 : index
    %get3A_80 = vector.load %arg1[%get3A_77, %get3A_78, %get3A_79] : memref<4x64x1024xf32, #tpu.memory_space<vmem>>, vector<1x64x1024xf32>
    %get3A_81 = vector.shape_cast %get3A_80 : vector<1x64x1024xf32> to vector<64x1024xf32>
    %transpose3A_82 = tpu.transpose %get3A_81, [1, 0] : vector<64x1024xf32> -> vector<1024x64xf32>
    %dot_general3A_83 = arith.constant dense<0.000000e+00> : vector<1024x1024xf32>
    %dot_general3A_84 = tpu.matmul %transpose3A_82, %get3A_1, %dot_general3A_83 {dimension_numbers = #tpu.dot_dimension_numbers<[1], [0], [0], [1], [0, 0, 1, 1], [], []>, transpose_lhs_hint = false} : vector<1024x64xf32>, vector<64x1024xf32>, vector<1024x1024xf32> -> vector<1024x1024xf32>
    %mul3A_85 = arith.mulf %transpose3A_82, %transpose3A_82 : vector<1024x64xf32>
    %reduce_sum3A_86 = arith.constant dense<0.000000e+00> : vector<1024xf32>
    %reduce_sum3A_87 = vector.multi_reduction <add>, %mul3A_85, %reduce_sum3A_86 [1] : vector<1024x64xf32> to vector<1024xf32>
    %broadcast_in_dim3A_88 = vector.shape_cast %reduce_sum3A_87 : vector<1024xf32> to vector<1024x1xf32>
    %broadcast_in_dim3A_89 = vector.shape_cast %reduce_sum3A_2 : vector<1024xf32> to vector<1x1024xf32>
    %add3A_90 = vector.broadcast %broadcast_in_dim3A_88 : vector<1024x1xf32> to vector<1024x1024xf32>
    %add3A_91 = vector.broadcast %broadcast_in_dim3A_89 : vector<1x1024xf32> to vector<1024x1024xf32>
    %add3A_92 = arith.addf %add3A_90, %add3A_91 : vector<1024x1024xf32>
    %mul3A_93 = arith.constant 2.000000e+00 : f32
    %mul3A_94 = vector.broadcast %mul3A_93 : f32 to vector<1024x1024xf32>
    %mul3A_95 = arith.mulf %mul3A_94, %dot_general3A_84 : vector<1024x1024xf32>
    %sub3A_96 = arith.subf %add3A_92, %mul3A_95 : vector<1024x1024xf32>
    %reduce_min3A_97 = arith.constant dense<0x7F800000> : vector<1024xf32>
    %reduce_min3A_98 = vector.multi_reduction <minimumf>, %sub3A_96, %reduce_min3A_97 [1] : vector<1024x1024xf32> to vector<1024xf32>
    %broadcast_in_dim3A_99 = vector.shape_cast %reduce_min3A_98 : vector<1024xf32> to vector<1024x1xf32>
    %iota3A_100 = tpu.iota {dimensions = array<i32: 1>} : vector<1024x1024xi32>
    %convert_element_type3A_101 = arith.sitofp %iota3A_100 : vector<1024x1024xi32> to vector<1024x1024xf32>
    %eq3A_102 = vector.broadcast %broadcast_in_dim3A_99 : vector<1024x1xf32> to vector<1024x1024xf32>
    %eq3A_103 = arith.cmpf oeq, %sub3A_96, %eq3A_102 : vector<1024x1024xf32>
    %jit3A_104 = arith.constant 2.048000e+03 : f32
    %broadcast_in_dim3A_105 = vector.broadcast %jit3A_104 : f32 to vector<1024x1024xf32>
    %select_n3A_106 = arith.select %eq3A_103, %convert_element_type3A_101, %broadcast_in_dim3A_105 : vector<1024x1024xi1>, vector<1024x1024xf32>
    %reduce_min3A_107 = arith.constant dense<0x7F800000> : vector<1024xf32>
    %reduce_min3A_108 = vector.multi_reduction <minimumf>, %select_n3A_106, %reduce_min3A_107 [1] : vector<1024x1024xf32> to vector<1024xf32>
    %convert_element_type3A_109 = arith.fptosi %reduce_min3A_108 : vector<1024xf32> to vector<1024xi32>
    %reshape3A_110 = vector.shape_cast %convert_element_type3A_109 : vector<1024xi32> to vector<8x128xi32>
    %swap3A_111 = arith.constant 16 : index
    %swap3A_112 = arith.constant 0 : index
    %swap3A_113 = vector.load %arg3[%swap3A_111, %swap3A_112] : memref<32x128xi32, #tpu.memory_space<vmem>>, vector<8x128xi32>
    tpu.vector_store %arg3[%swap3A_111, %swap3A_112], %reshape3A_110 {strides = array<i32>} : memref<32x128xi32, #tpu.memory_space<vmem>>, vector<8x128xi32>,
    %reduce_sum3A_114 = vector.shape_cast %broadcast_in_dim3A_99 : vector<1024x1xf32> to vector<1x1024x1xf32>
    %reduce_sum3A_115 = arith.constant dense<0.000000e+00> : vector<1xf32>
    %reduce_sum3A_116 = vector.multi_reduction <add>, %reduce_sum3A_114, %reduce_sum3A_115 [1, 2] : vector<1x1024x1xf32> to vector<1xf32>
    %reduce_sum3A_117 = vector.shape_cast %reduce_sum3A_116 : vector<1xf32> to vector<1x1x1xf32>
    %reduce_sum3A_118 = vector.extract %reduce_sum3A_117[0, 0, 0] : f32 from vector<1x1x1xf32>
    %add3A_119 = arith.addf %add3A_76, %reduce_sum3A_118 : f32
    %get3A_120 = arith.constant 3 : index
    %get3A_121 = arith.constant 0 : index
    %get3A_122 = arith.constant 0 : index
    %get3A_123 = vector.load %arg1[%get3A_120, %get3A_121, %get3A_122] : memref<4x64x1024xf32, #tpu.memory_space<vmem>>, vector<1x64x1024xf32>
    %get3A_124 = vector.shape_cast %get3A_123 : vector<1x64x1024xf32> to vector<64x1024xf32>
    %transpose3A_125 = tpu.transpose %get3A_124, [1, 0] : vector<64x1024xf32> -> vector<1024x64xf32>
    %dot_general3A_126 = arith.constant dense<0.000000e+00> : vector<1024x1024xf32>
    %dot_general3A_127 = tpu.matmul %transpose3A_125, %get3A_1, %dot_general3A_126 {dimension_numbers = #tpu.dot_dimension_numbers<[1], [0], [0], [1], [0, 0, 1, 1], [], []>, transpose_lhs_hint = false} : vector<1024x64xf32>, vector<64x1024xf32>, vector<1024x1024xf32> -> vector<1024x1024xf32>
    %mul3A_128 = arith.mulf %transpose3A_125, %transpose3A_125 : vector<1024x64xf32>
    %reduce_sum3A_129 = arith.constant dense<0.000000e+00> : vector<1024xf32>
    %reduce_sum3A_130 = vector.multi_reduction <add>, %mul3A_128, %reduce_sum3A_129 [1] : vector<1024x64xf32> to vector<1024xf32>
    %broadcast_in_dim3A_131 = vector.shape_cast %reduce_sum3A_130 : vector<1024xf32> to vector<1024x1xf32>
    %broadcast_in_dim3A_132 = vector.shape_cast %reduce_sum3A_2 : vector<1024xf32> to vector<1x1024xf32>
    %add3A_133 = vector.broadcast %broadcast_in_dim3A_131 : vector<1024x1xf32> to vector<1024x1024xf32>
    %add3A_134 = vector.broadcast %broadcast_in_dim3A_132 : vector<1x1024xf32> to vector<1024x1024xf32>
    %add3A_135 = arith.addf %add3A_133, %add3A_134 : vector<1024x1024xf32>
    %mul3A_136 = arith.constant 2.000000e+00 : f32
    %mul3A_137 = vector.broadcast %mul3A_136 : f32 to vector<1024x1024xf32>
    %mul3A_138 = arith.mulf %mul3A_137, %dot_general3A_127 : vector<1024x1024xf32>
    %sub3A_139 = arith.subf %add3A_135, %mul3A_138 : vector<1024x1024xf32>
    %reduce_min3A_140 = arith.constant dense<0x7F800000> : vector<1024xf32>
    %reduce_min3A_141 = vector.multi_reduction <minimumf>, %sub3A_139, %reduce_min3A_140 [1] : vector<1024x1024xf32> to vector<1024xf32>
    %broadcast_in_dim3A_142 = vector.shape_cast %reduce_min3A_141 : vector<1024xf32> to vector<1024x1xf32>
    %iota3A_143 = tpu.iota {dimensions = array<i32: 1>} : vector<1024x1024xi32>
    %convert_element_type3A_144 = arith.sitofp %iota3A_143 : vector<1024x1024xi32> to vector<1024x1024xf32>
    %eq3A_145 = vector.broadcast %broadcast_in_dim3A_142 : vector<1024x1xf32> to vector<1024x1024xf32>
    %eq3A_146 = arith.cmpf oeq, %sub3A_139, %eq3A_145 : vector<1024x1024xf32>
    %jit3A_147 = arith.constant 2.048000e+03 : f32
    %broadcast_in_dim3A_148 = vector.broadcast %jit3A_147 : f32 to vector<1024x1024xf32>
    %select_n3A_149 = arith.select %eq3A_146, %convert_element_type3A_144, %broadcast_in_dim3A_148 : vector<1024x1024xi1>, vector<1024x1024xf32>
    %reduce_min3A_150 = arith.constant dense<0x7F800000> : vector<1024xf32>
    %reduce_min3A_151 = vector.multi_reduction <minimumf>, %select_n3A_149, %reduce_min3A_150 [1] : vector<1024x1024xf32> to vector<1024xf32>
    %convert_element_type3A_152 = arith.fptosi %reduce_min3A_151 : vector<1024xf32> to vector<1024xi32>
    %reshape3A_153 = vector.shape_cast %convert_element_type3A_152 : vector<1024xi32> to vector<8x128xi32>
    %swap3A_154 = arith.constant 24 : index
    %swap3A_155 = arith.constant 0 : index
    %swap3A_156 = vector.load %arg3[%swap3A_154, %swap3A_155] : memref<32x128xi32, #tpu.memory_space<vmem>>, vector<8x128xi32>
    tpu.vector_store %arg3[%swap3A_154, %swap3A_155], %reshape3A_153 {strides = array<i32>} : memref<32x128xi32, #tpu.memory_space<vmem>>, vector<8x128xi32>,
    %reduce_sum3A_157 = vector.shape_cast %broadcast_in_dim3A_142 : vector<1024x1xf32> to vector<1x1024x1xf32>
    %reduce_sum3A_158 = arith.constant dense<0.000000e+00> : vector<1xf32>
    %reduce_sum3A_159 = vector.multi_reduction <add>, %reduce_sum3A_157, %reduce_sum3A_158 [1, 2] : vector<1x1024x1xf32> to vector<1xf32>
    %reduce_sum3A_160 = vector.shape_cast %reduce_sum3A_159 : vector<1xf32> to vector<1x1x1xf32>
    %reduce_sum3A_161 = vector.extract %reduce_sum3A_160[0, 0, 0] : f32 from vector<1x1x1xf32>
    %add3A_162 = arith.addf %add3A_119, %reduce_sum3A_161 : f32
    %eq3A_163 = arith.constant 0 : i32
    %eq3A_164 = arith.cmpi eq, %arg0, %eq3A_163 : i32
    %convert_element_type3A_165 = arith.extui %eq3A_164 : i1 to i32
    %cond3A = arith.constant 0 : i32
    %cond3A_166 = arith.cmpi ne, %convert_element_type3A_165, %cond3A : i32
    scf.if %cond3A_166 {
      %swap3A_177 = arith.constant 0.000000e+00 : f32
      %swap3A_178 = arith.constant 0 : index
      %swap3A_179 = memref.load %arg5[%swap3A_178] : memref<1xf32, #tpu.memory_space<smem>>
      memref.store %swap3A_177, %arg5[%swap3A_178] : memref<1xf32, #tpu.memory_space<smem>>
    } else {
    }
    %get3A_167 = arith.constant 0 : index
    %get3A_168 = memref.load %arg5[%get3A_167] : memref<1xf32, #tpu.memory_space<smem>>
    %add3A_169 = arith.addf %get3A_168, %add3A_162 : f32
    %swap3A_170 = arith.constant 0 : index
    %swap3A_171 = memref.load %arg5[%swap3A_170] : memref<1xf32, #tpu.memory_space<smem>>
    memref.store %add3A_169, %arg5[%swap3A_170] : memref<1xf32, #tpu.memory_space<smem>>
    %eq3A_172 = arith.constant 3 : i32
    %eq3A_173 = arith.cmpi eq, %arg0, %eq3A_172 : i32
    %convert_element_type3A_174 = arith.extui %eq3A_173 : i1 to i32
    %cond3A_175 = arith.constant 0 : i32
    %cond3A_176 = arith.cmpi ne, %convert_element_type3A_174, %cond3A_175 : i32
    scf.if %cond3A_176 {
      %get3A_177 = arith.constant 0 : index
      %get3A_178 = memref.load %arg5[%get3A_177] : memref<1xf32, #tpu.memory_space<smem>>
      %broadcast_in_dim3A_179 = vector.broadcast %get3A_178 : f32 to vector<1x1xf32>
      %swap3A_180 = arith.constant 0 : index
      %swap3A_181 = arith.constant 0 : index
      %swap3A_182 = vector.load %arg4[%swap3A_180, %swap3A_181] : memref<1x1xf32, #tpu.memory_space<vmem>>, vector<1x1xf32>
      tpu.vector_store %arg4[%swap3A_180, %swap3A_181], %broadcast_in_dim3A_179 {strides = array<i32>} : memref<1x1xf32, #tpu.memory_space<vmem>>, vector<1x1xf32>,
    } else {
    }
    return
  }
  func.func @transform_0(%arg0: i32) -> (i32, i32, i32) {
    %add3A = arith.constant 0 : i32
    %add3A_0 = arith.addi %arg0, %add3A : i32
    %c0_i32 = arith.constant 0 : i32
    %c0_i32_1 = arith.constant 0 : i32
    %c0_i32_2 = arith.constant 0 : i32
    return %add3A_0, %c0_i32, %c0_i32_1 : i32, i32, i32
  }
  func.func @transform_1(%arg0: i32) -> (i32, i32) {
    %c0_i32 = arith.constant 0 : i32
    %c0_i32_0 = arith.constant 0 : i32
    %c0_i32_1 = arith.constant 0 : i32
    return %c0_i32, %c0_i32_0 : i32, i32
  }
  func.func @transform_2(%arg0: i32) -> (i32, i32) {
    %c0_i32 = arith.constant 0 : i32
    %c0_i32_0 = arith.constant 0 : i32
    return %arg0, %c0_i32 : i32, i32
  }
  func.func @transform_3(%arg0: i32) -> (i32, i32) {
    %c0_i32 = arith.constant 0 : i32
    %c0_i32_0 = arith.constant 0 : i32
    %c0_i32_1 = arith.constant 0 : i32
    return %c0_i32, %c0_i32_0 : i32, i32
  }
}

</mosaic_0001>

<sc_bundles>
// kernel: kernel.4.cloned.1.call-start
scs
__scs_entry_jumppad:
0x0: {  	(pc) =	sbr.rel $0x88, $3  }
0x1: {  	(tag) =	ssettag $0x0;
	lr =	simm.s32 $0x1  }
0x2: {  	[smem:$0x3F9F] =	sst lr;
	_ =	strace $0xD0000000  }
0x3: {  	_ = 	snop  }
0x4: {  	_ = 	snop  }
0x5: {  	_ = 	snop  }
0x6: {  	_ = 	snop  }
0x7: {  	_ = 	snop  }
__scs_overlays_trampoline_lowered:
0x8: {  	[smem:$0x3FAE] =	sst s0  }
0x9: {  	[smem:$0x3FAF] =	sst s1  }
0xa: {  	[smem:$0x3FB0] =	sst s2  }
0xb: {  	[smem:$0x3FB1] =	sst s3  }
0xc: {  	[smem:$0x3FB2] =	sst s4  }
0xd: {  	[smem:$0x3FB3] =	sst s5  }
0xe: {  	[smem:$0x3FB4] =	sst s6  }
0xf: {  	[smem:$0x3FB5] =	sst s7  }
0x10: {  	[smem:$0x3FB6] =	sst s8  }
0x11: {  	[smem:$0x3FB7] =	sst s9;
	s0 =	simm.s32 @!p0 $0x0  }
0x12: {  	s1 =	sld [smem:$0x3F9D];
	s0 =	simm.s32 @p0 $0x1  }
0x13: {  	[smem:$0x3FB8] =	sst s0;
	s0 =	simm.s32 @!p1 $0x0  }
0x14: {  	s2 =	sld [smem:$0x3F9C];
	s0 =	simm.s32 @p1 $0x1  }
0x15: {  	[smem:$0x3FB9] =	sst s0;
	s0 =	simm.s32 @!p2 $0x0  }
0x16: {  	s3 =	sld [smem:$0x3FDB];
	s0 =	simm.s32 @p2 $0x1  }
0x17: {  	s4 =	simm.s32 $0x1BF5;
	[smem:$0x3FBB] =	sst s0  }
0x18: {  	s0 =	sld [smem:$0x3F9E];
	_ =	swait.ge [sflag:s4], $0x0  }
0x19: {  	s7 =	sld [smem:$0x3F9F]  }
0x1a: {  	s8 =	sadd.s32 $0xFFFFE003, lr  }
0x1b: {  	s9 =	sadd.s32 $0xFFFFFEF7, lr;
	s5 =	simm.s32 $0xFFFFFFFF;
	p2 =	slt.u32 s8, $0xFFFFF086  }
0x1c: {  	p1 =	slt.u32 s9, $0xF7A;
	s5 =	simm.s32 @!p2 $0x0  }
0x1d: {  	s5 =	simm.s32 @p1 $0x1;
	p0 =	seq.s32 s7, s2  }
0x1e: {  	s7 =	smul.u32 @!p0 $0xF7A, s2;
	p2 =	seq.s32 @!p0 s5, $0x0  }
0x1f: {  	s9 =	smul.u32 $0xF7A, s1;
	s8 =	simm.s32 @!p0 $0x1BF5;
	p2 =	por !p2, p0  }
0x20: {  	[sflag:s8] =	ssyncset.s32 @!p0 $0xFFFFF086;
	s6 =	sadd.s32 @!p0 s3, s7;
	s7 =	simm.s32 @!p0 $0x108  }
0x21: {  	s3 =	sadd.s32 s3, s9;
	s6 =	sadd.s32 @!p0 $0x88, s6;
	s7 =	simm.s32 @p2 $0x1082  }
0x22: {  	[simem:s7], [sflag:s8] =	dma.local @!p0 [hbm:s6], $0xF7A  }
0x23: {  	s9 =	sor.u32 $0xD0000000, s2;
	s6 =	simm.s32 $0x108;
	_ =	swait.ge @!p0 [sflag:s8], $0x0  }
0x24: {  	s3 =	sadd.s32 $0x88, s3;
	s6 =	simm.s32 @!p1 $0x1082;
	[sflag:s4] =	ssyncset.s32 $0xFFFFF086  }
0x25: {  	[simem:s6], [sflag:s4] =	dma.local [hbm:s3], $0xF7A  }
0x26: {  	[smem:$0x3F9F] =	sst s1;
	(tag) =	ssettag s2;
	_ =	strace s9  }
0x27: {  	s1 =	sld [smem:$0x3FAF]  }
0x28: {  	s2 =	sld [smem:$0x3FB0]  }
0x29: {  	s4 =	sld [smem:$0x3FB2]  }
0x2a: {  	p0 =	seq.s32 s5, $0x0;
	s5 =	sld [smem:$0x3FB3]  }
0x2b: {  	s6 =	sld [smem:$0x3FB4]  }
0x2c: {  	s7 =	sld [smem:$0x3FB5]  }
0x2d: {  	s3 =	simm.s32 $0x108;
	s8 =	sld [smem:$0x3FB6]  }
0x2e: {  	s3 =	simm.s32 @!p0 $0x1082;
	s9 =	sld [smem:$0x3FB7]  }
0x2f: {  	lr =	sadd.s32 s0, s3;
	s0 =	sld [smem:$0x3FAE]  }
0x30: {  	s3 =	sld [smem:$0x3FB1]  }
0x31: {  	[smem:$0x3FBA] =	sst s10  }
0x32: {  	s10 =	sld [smem:$0x3FB8];
	_ =	sdelay $0x3  }
0x33: {  	p0 =	seq.s32 s10, $0x1;
	s10 =	sld [smem:$0x3FBA];
	_ =	sdelay $0x3  }
0x34: {  	[smem:$0x3FBA] =	sst s10  }
0x35: {  	s10 =	sld [smem:$0x3FB9];
	_ =	sdelay $0x3  }
0x36: {  	p1 =	seq.s32 s10, $0x1;
	s10 =	sld [smem:$0x3FBA];
	_ =	sdelay $0x3  }
0x37: {  	[smem:$0x3FBA] =	sst s10  }
0x38: {  	s10 =	sld [smem:$0x3FBB]  }
0x39: {  	_ = 	snop;
	(pc) =	sbr.ind lr, $3  }
0x3a: {  	_ = 	snop  }
0x3b: {  	_ = 	snop  }
0x3c: {  	p2 =	seq.s32 s10, $0x1;
	s10 =	sld [smem:$0x3FBA]  }
0x3d: {  	_ =	shalt  }
0x3e: {  	_ =	shalt  }
0x3f: {  	_ =	shalt  }
0x40: {  	_ =	shalt  }
0x41: {  	_ =	shalt  }
0x42: {  	_ =	shalt  }
0x43: {  	_ =	shalt  }
0x44: {  	_ =	shalt  }
0x45: {  	_ =	shalt  }
0x46: {  	_ =	shalt  }
0x47: {  	_ =	shalt  }
0x48: {  	_ =	shalt  }
0x49: {  	_ =	shalt  }
0x4a: {  	_ =	shalt  }
0x4b: {  	_ =	shalt  }
0x4c: {  	_ =	shalt  }
0x4d: {  	_ =	shalt  }
0x4e: {  	_ =	shalt  }
0x4f: {  	_ =	shalt  }
0x50: {  	_ =	shalt  }
0x51: {  	_ =	shalt  }
0x52: {  	_ =	shalt  }
0x53: {  	_ =	shalt  }
0x54: {  	_ =	shalt  }
0x55: {  	_ =	shalt  }
0x56: {  	_ =	shalt  }
0x57: {  	_ =	shalt  }
0x58: {  	_ =	shalt  }
0x59: {  	_ =	shalt  }
0x5a: {  	_ =	shalt  }
0x5b: {  	_ =	shalt  }
0x5c: {  	_ =	shalt  }
0x5d: {  	_ =	shalt  }
0x5e: {  	_ =	shalt  }
0x5f: {  	_ =	shalt  }
0x60: {  	_ =	shalt  }
0x61: {  	_ =	shalt  }
0x62: {  	_ =	shalt  }
0x63: {  	_ =	shalt  }
0x64: {  	_ =	shalt  }
0x65: {  	_ =	shalt  }
0x66: {  	_ =	shalt  }
0x67: {  	_ =	shalt  }
0x68: {  	_ =	shalt  }
0x69: {  	_ =	shalt  }
0x6a: {  	_ =	shalt  }
0x6b: {  	_ =	shalt  }
0x6c: {  	_ =	shalt  }
0x6d: {  	_ =	shalt  }
0x6e: {  	_ =	shalt  }
0x6f: {  	_ =	shalt  }
0x70: {  	_ =	shalt  }
0x71: {  	_ =	shalt  }
0x72: {  	_ =	shalt  }
0x73: {  	_ =	shalt  }
0x74: {  	_ =	shalt  }
0x75: {  	_ =	shalt  }
0x76: {  	_ =	shalt  }
0x77: {  	_ =	shalt  }
0x78: {  	_ =	shalt  }
0x79: {  	_ =	shalt  }
0x7a: {  	_ =	shalt  }
0x7b: {  	_ =	shalt  }
0x7c: {  	_ =	shalt  }
0x7d: {  	_ =	shalt  }
0x7e: {  	_ =	shalt  }
0x7f: {  	_ =	shalt  }
0x80: {  	_ =	shalt  }
0x81: {  	_ =	shalt  }
0x82: {  	_ =	shalt  }
0x83: {  	_ =	shalt  }
0x84: {  	_ =	shalt  }
0x85: {  	_ =	shalt  }
0x86: {  	_ =	shalt  }
0x87: {  	_ =	shalt  }
.Lfunc_end0:
.L_simem_size_0:
called_computation_lowered:
.L_overlay_start_0:
0x88: {  	s2 =	sld [smem:$0x3FD9]  }
0x89: {  	s3 =	sld [smem:$0x3FFE];
	_ =	sdelay $0x1  }
0x8a: {  	s1 =	srdreg.scid  }
0x8b: {  	s0 =	sand.u32 $0x1, s1  }
0x8c: {  	s14 =	sshll.u32 s0, $0xA;
	s2 =	sadd.s32 s3, s2  }
0x8d: {  	s2 =	sadd.s32 s2, s14  }
0x8e: {  	[smem:$0x3FC6] =	sst s2  }
0x8f: {  	_ = 	snop  }
0x90: {  	s2 =	sld [smem:$0x3FD0];
	_ =	sdelay $0x2  }
0x91: {  	s15 =	simm.s32 $0xA;
	s4 =	simm.s32 $0x10  }
0x92: {  	[smem:s4], [sflag:s15] =	dma.local [hbm:s2], $0x1  }
0x93: {  	_ =	swait.eq [sflag:s15], $0x1  }
0x94: {  	[sflag:s15] =	ssyncset.done $0x0  }
0x95: {  	[sflag:s15] =	ssyncadd.s32 $0xFFFFFFFF  }
0x96: {  	s16 =	sld [smem:$0x10];
	(tm) =	ssettm $0x1  }
0x97: {  	s17 =	sld [smem:$0x3FFB];
	_ =	sdelay $0x3  }
0x98: {  	_ =	strace s17  }
0x99: {  	s3 =	sld [smem:$0x3FFC];
	_ =	sdelay $0x3  }
0x9a: {  	_ =	strace s3  }
0x9b: {  	s3 =	sld [smem:$0x3FFD];
	_ =	sdelay $0x3  }
0x9c: {  	_ =	strace s3  }
0x9d: {  	_ =	strace $0x8FFFFFFF  }
0x9e: {  	s18 =	sld [smem:$0x3FDB];
	_ =	sdelay $0x1  }
0x9f: {  	s19 =	simm.s32 $_scs_section_size  }
0xa0: {  	s5 =	simm.s32 $_size__tile_overlayer_lowered;
	s6 =	simm.s32 $_tile_overlayer_lowered  }
0xa1: {  	s22 =	simm.s32 $0x1BFF;
	s21 =	sshll.u32 s6, $0x1;
	s3 =	sadd.s32 s19, s18  }
0xa2: {  	s7 =	simm.s32 $0x0;
	s20 =	sshll.u32 s5, $0x1;
	s5 =	sadd.s32 s21, s3  }
0xa3: {  	[timem:s7], [sflag:s22] =	dma.local [hbm:s5], s20  }
0xa4: {  	_ =	swait.ge [sflag:s22], s20  }
0xa5: {  	s4 =	ssub.s32 $0x0, s20;
	[sflag:s22] =	ssyncset.done $0x0  }
0xa6: {  	[sflag:s22] =	ssyncadd.s32 s4;
	_ =	sdelay $0x1  }
0xa7: {  	s23 =	simm.s32 $0x1B8B  }
0xa8: {  	_ =	swait.ge [sflag:s23], $0x1  }
0xa9: {  	[sflag:s23] =	ssyncset.done $0x0  }
0xaa: {  	s25 =	simm.s32 $0x1B8E;
	s24 =	sld [smem:$0x3FFE];
	[sflag:s23] =	ssyncadd.s32 $0xFFFFFFFF  }
0xab: {  	s26 =	simm.s32 $execute0_lowered;
	[smem:$0x3FD2] =	sst s25  }
0xac: {  	s5 =	sshll.u32 s26, $0x1;
	_ =	strace $0x80000046;
	[dreg:$0x1] =	wrdreg $0xFFFFFFFF  }
0xad: {  	s28 =	simm.s32 $_size_execute0_lowered;
	s3 =	sadd.s32 s3, s5;
	[dreg:$0x0] =	wrdreg $0x0  }
0xae: {  	s5 =	sshll.u32 s28, $0x1;
	[dreg:$0x2] =	wrdreg s3  }
0xaf: {  	[dreg:$0x3] =	wrdreg s5  }
0xb0: {  	[dreg:$0x4] =	wrdreg $0xC0  }
0xb1: {  	_ =	task [dreg:s7], $0x5FFFF  }
0xb2: {  	[dreg:$0x1] =	wrdreg $0xFFFFFFFF  }
0xb3: {  	[dreg:$0x0] =	wrdreg $0x60  }
0xb4: {  	[dreg:$0x2] =	wrdreg s16  }
0xb5: {  	[dreg:$0x3] =	wrdreg s24  }
0xb6: {  	[dreg:$0x4] =	wrdreg $0x9  }
0xb7: {  	_ =	task.clear_ibuf [dreg:s7], $0x5FFFF;
	_ =	strace $0x90000046  }
0xb8: {  	s29 =	simm.s32 $0x9;
	_ =	strace $0x80000048  }
0xb9: {  	_ =	swait.ge [sflag:s29], $0x1  }
0xba: {  	[sflag:s29] =	ssyncadd.s32 $0xFFFFFFFF  }
0xbb: {  	_ =	strace $0x90000048  }
0xbc: {  	_ =	sfence  }
0xbd: {  	s30 =	sld [smem:$0x0];
	_ =	sdelay $0x2  }
0xbe: {  	s31 =	sshll.u32 s1, $0xD;
	s1 =	sshrl.u32 s1, $0x2  }
0xbf: {  	s3 =	sand.u32 $0x4000, s31;
	s1 =	sadd.s32 s1, s30  }
0xc0: {  	s0 =	sor.u32 s3, s0;
	s1 =	sshll.u32 s1, $0x11  }
0xc1: {  	s0 =	sor.u32 s1, s0  }
0xc2: {  	s0 =	sadd.s32 $0x8F2B, s0  }
0xc3: {  	[sflag:s0] =	ssyncadd.remote.s32 $0x1  }
0xc4: {  	_ =	sfence.sel $0xFFFF  }
0xc5: {  	[dreg:$0x0] =	wrdreg $0xFFFFFFFF;
	(pc) =	sbr.abs _section_cstart, $3  }
0xc6: {  	[dreg:$0x1] =	wrdreg $0xFFFFFFFF  }
0xc7: {  	_ =	task.clear_ibuf [dreg:s7], $0x2FFFF;
	_ =	strace $0x9FFFFFFF  }
0xc8: {  	(tm) =	ssettm $0x7FFFFFFF  }
0xc9: {  	_ =	shalt  }
tec
execute0_lowered:
.L_overlay_start_1:
0x0: {  	(tag) =	ssettag $0x1  }
0x1: {  	s1 =	srdreg.scid  }
0x2: {  	s0 =	stileid.u32;
	s14 =	sand.u32 $0x1, s1  }
0x3: {  	s2 =	rddreg [dreg:$0x0];
	s30 =	sshll.u32 s0, $0xA;
	s3 =	sshll.u32 s14, $0x9  }
0x4: {  	s15 =	rddreg [dreg:$0x1];
	s16 =	sor.u32 s3, s30  }
0x5: {  	s1 =	rddreg [dreg:$0x2];
	s3 =	simm.s32 $0x0;
	s4 =	sshrl.u32 s16, $0x3  }
0x6: {  	[smem:$0x7FF] =	sst s3;
	s4 =	sadd.s32 s4, s15  }
0x7: {  	_ =	strace $0x80000047;
	s5 =	sadd.s32 $0xC00, s4;
	s4 =	simm.s32 $0x2  }
0x8: {  	[tilespmem:s3], [sflag:$0x2] =	stream.linear.gather [hbm4b:s5+s3], $0x200, $0x38;
	[tilespmem:$0x8200] =	vst v63  }
0x9: {  	_ =	swait.ge [sflag:s4], $0x200  }
0xa: {  	[sflag:s4] =	ssyncset.done $0x0  }
0xb: {  	s6 =	simm.s32 $0x80;
	s7 =	simm.s32 $0x200;
	[sflag:s4] =	ssyncadd.s32 $0xFFFFFE00  }
0xc: {  	[tilespmem:s7], [sflag:$0x1] =	stream.indirect.gather [hbm4b:s2+s6], $0x40, s3, s6, $0xb8;
	[tilespmem:$0x8200] =	vst v63  }
0xd: {  	s8 =	simm.s32 $0x2200  }
0xe: {  	[tilespmem:s8], [sflag:$0x1] =	stream.indirect.gather [hbm4b:s2+s6], $0x40, s6, s6, $0xb8;
	[tilespmem:$0x8200] =	vst v63  }
0xf: {  	s9 =	simm.s32 $0x100;
	s10 =	simm.s32 $0x4200  }
0x10: {  	[tilespmem:s10], [sflag:$0x1] =	stream.indirect.gather [hbm4b:s2+s6], $0x40, s9, s6, $0xb8;
	[tilespmem:$0x8200] =	vst v63  }
0x11: {  	s11 =	simm.s32 $0x180;
	s12 =	simm.s32 $0x6200;
	s13 =	simm.s32 $0x1  }
0x12: {  	[tilespmem:s12], [sflag:$0x1] =	stream.indirect.gather [hbm4b:s2+s6], $0x40, s11, s6, $0xb8;
	[tilespmem:$0x8200] =	vst v63  }
0x13: {  	_ =	swait.ge [sflag:s13], $0x2000  }
0x14: {  	[sflag:s13] =	ssyncset.done $0x0  }
0x15: {  	[sflag:s13] =	ssyncadd.s32 $0xFFFFE000  }
0x16: {  	_ =	swait.ge [sflag:s13], $0x2000  }
0x17: {  	[sflag:s13] =	ssyncset.done $0x0  }
0x18: {  	s14 =	ssub.s32 $0x2, s14;
	[sflag:s13] =	ssyncadd.s32 $0xFFFFE000  }
0x19: {  	s31 =	sshrl.u32 s14, $0x1;
	s16 =	sshll.u32 s16, $0x4;
	_ =	swait.ge [sflag:s13], $0x2000  }
0x1a: {  	s15 =	sadd.s32 s16, s15;
	s16 =	ssub.s32 s14, s31;
	[sflag:s13] =	ssyncset.done $0x0  }
0x1b: {  	s16 =	smax.u32 s16, $0x1;
	[sflag:s13] =	ssyncadd.s32 $0xFFFFE000  }
0x1c: {  	p0 =	sne.s32 s16, $0x1;
	_ =	swait.ge [sflag:s13], $0x2000  }
.Ltmp0:
0x1d: {  	[sflag:s13] =	ssyncset.done $0x0;
	(pc) =	sbr.rel @!p0 .LBB2_2-.Ltmp0, $4  }
0x1e: {  	s14 =	sadd.s32 $0x1400, s15;
	s15 =	simm.s32 $0x40;
	[sflag:s13] =	ssyncadd.s32 $0xFFFFE000  }
0x1f: {  	[hbm4b:s14+s15] =	stream.strided.scatter [tilespmem:s7], [sflag:$0x2], $0x8000, s6, s15, $0x38;
	[tilespmem:$0x8200] =	vst v63  }
0x20: {  	_ =	swait.ge [sflag:s4], $0x8000  }
0x21: {  	s16 =	sadd.s32 $0xFFFFFFFF, s16;
	[sflag:s4] =	ssyncset.done $0x0  }
.LBB2_1:
0x22: {  	p0 =	sne.s32 s16, $0x1;
	s16 =	sadd.s32 $0xFFFFFFFF, s16;
	[sflag:s4] =	ssyncadd.s32 $0xFFFF8000  }
0x23: {  	[tilespmem:s3], [sflag:$0x2] =	stream.linear.gather [hbm4b:s5+s3], $0x200, $0x38;
	[tilespmem:$0x8200] =	vst v63  }
0x24: {  	_ =	swait.ge [sflag:s4], $0x200  }
0x25: {  	[sflag:s4] =	ssyncset.done $0x0  }
0x26: {  	[sflag:s4] =	ssyncadd.s32 $0xFFFFFE00  }
0x27: {  	[tilespmem:s7], [sflag:$0x1] =	stream.indirect.gather [hbm4b:s2+s6], $0x40, s3, s6, $0xb8;
	[tilespmem:$0x8200] =	vst v63  }
0x28: {  	_ = 	snop  }
0x29: {  	[tilespmem:s8], [sflag:$0x1] =	stream.indirect.gather [hbm4b:s2+s6], $0x40, s6, s6, $0xb8;
	[tilespmem:$0x8200] =	vst v63  }
0x2a: {  	_ = 	snop  }
0x2b: {  	[tilespmem:s10], [sflag:$0x1] =	stream.indirect.gather [hbm4b:s2+s6], $0x40, s9, s6, $0xb8;
	[tilespmem:$0x8200] =	vst v63  }
0x2c: {  	_ = 	snop  }
0x2d: {  	[tilespmem:s12], [sflag:$0x1] =	stream.indirect.gather [hbm4b:s2+s6], $0x40, s11, s6, $0xb8;
	[tilespmem:$0x8200] =	vst v63  }
0x2e: {  	_ =	swait.ge [sflag:s13], $0x2000  }
0x2f: {  	[sflag:s13] =	ssyncset.done $0x0  }
0x30: {  	[sflag:s13] =	ssyncadd.s32 $0xFFFFE000  }
0x31: {  	_ =	swait.ge [sflag:s13], $0x2000  }
0x32: {  	[sflag:s13] =	ssyncset.done $0x0  }
0x33: {  	[sflag:s13] =	ssyncadd.s32 $0xFFFFE000  }
0x34: {  	_ =	swait.ge [sflag:s13], $0x2000  }
0x35: {  	[sflag:s13] =	ssyncset.done $0x0  }
0x36: {  	[sflag:s13] =	ssyncadd.s32 $0xFFFFE000  }
0x37: {  	_ =	swait.ge [sflag:s13], $0x2000  }
.Ltmp1:
0x38: {  	[sflag:s13] =	ssyncset.done $0x0;
	(pc) =	sbr.rel @p0 .LBB2_1-.Ltmp1, $4  }
0x39: {  	[sflag:s13] =	ssyncadd.s32 $0xFFFFE000  }
0x3a: {  	[hbm4b:s14+s15] =	stream.strided.scatter [tilespmem:s7], [sflag:$0x2], $0x8000, s6, s15, $0x38;
	[tilespmem:$0x8200] =	vst v63  }
0x3b: {  	_ =	swait.ge [sflag:s4], $0x8000  }
0x3c: {  	[sflag:s4] =	ssyncset.done $0x0  }
.LBB2_2:
0x3d: {  	[sflag:s4] =	ssyncadd.s32 $0xFFFF8000  }
0x3e: {  	_ =	sfence.sel $0x180000  }
0x3f: {  	[bflag:$0x0] =	sbarrier.arrive $0xFFFF  }
0x40: {  	p0 =	sne.s32 s0, $0x0;
	_ =	strace $0x90000047  }
0x41: {  	s0 =	sadd.s32 @!p0 $0x100000, s1;
	[bflag:$0x2] =	sbarrier.arrive $0xFFFF  }
0x42: {  	[sflag:s0] =	ssyncadd.tile.s32 @!p0 $0x1;
	_ =	shalt  }
.Lfunc_end2:
_tile_overlayer_lowered:
.L_overlay_start_2:
0x43: {  	(tag) =	ssettag $0x2  }
0x44: {  	s0 =	rddreg [dreg:$0x0];
	s2 =	stileid.u32  }
0x45: {  	s1 =	rddreg [dreg:$0x1];
	p0 =	sne.s32 s2, $0x0  }
0x46: {  	s3 =	rddreg [dreg:$0x2];
	[bflag:$0x3] =	sbarrier.arrive $0xFFFF;
	s2 =	simm.s32 @!p0 $0x1C02  }
0x47: {  	[timem:s3], [sflag:s2] =	dma.local @!p0 [hbm:s0], s1  }
0x48: {  	s0 =	simm.s32 @!p0 $0x2  }
0x49: {  	_ =	swait.ge @!p0 [sflag:s0], s1  }
0x4a: {  	s1 =	ssub.s32 @!p0 $0x0, s1;
	[sflag:s0] =	ssyncset.done @!p0 $0x0  }
0x4b: {  	[sflag:s0] =	ssyncadd.s32 @!p0 s1  }
0x4c: {  	[bflag:$0x3] =	sbarrier.arrive $0xFFFF  }
0x4d: {  	_ =	shalt  }

</sc_bundles>
